<compile_context>
chip_gen: v7x
topology: tpu7x:2x2x1
jax: 0.10.2.dev20260603
libtpu: 0.0.44.dev20260713+nightly
codegen_flags: <defaults>
</compile_context>

<pallas_src>
import functools

import jax
import jax.numpy as jnp
from jax import lax
from jax.experimental import pallas as pl
from jax.experimental.pallas import tpu as pltpu
from jax.experimental.pallas import tpu_sc as plsc

BATCH = 16384
WORD_DIM = 128
EMB = 16

_NC = 2
_NS = 16
_NW = _NC * _NS
_RPT = BATCH // _NW
_CHUNK = 128
_NCHUNK = _RPT // _CHUNK


def _sc_gather_body(url_table, author_table, uidx, aidx, url_flat, author_flat,
                    uidx_v, aidx_v, ubuf, abuf, sem, osem):
    wid = lax.axis_index("s") * _NC + lax.axis_index("c")
    base = wid * _RPT
    pltpu.sync_copy(uidx.at[pl.ds(base, _RPT)], uidx_v)
    pltpu.sync_copy(aidx.at[pl.ds(base, _RPT)], aidx_v)
    handles = []
    for c in range(_NCHUNK):
        sl = pl.ds(c * _CHUNK, _CHUNK)
        handles.append(pltpu.async_copy(url_table.at[uidx_v.at[sl]], ubuf.at[sl], sem))
        handles.append(pltpu.async_copy(author_table.at[aidx_v.at[sl]], abuf.at[sl], sem))
    for h in handles:
        h.wait()

    def row_out(i, carry):
        fl = pl.ds((i % 8) * EMB, EMB)
        pltpu.async_copy(ubuf.at[i], url_flat.at[base + i, fl], osem)
        pltpu.async_copy(abuf.at[i], author_flat.at[base + i, fl], osem)
        return carry

    lax.fori_loop(0, _RPT, row_out, 0)
    pltpu.make_async_copy(url_table.at[pl.ds(0, _RPT)], ubuf, osem).wait()
    pltpu.make_async_copy(author_table.at[pl.ds(0, _RPT)], abuf, osem).wait()


@functools.cache
def _sc_gather():
    return pl.kernel(
        _sc_gather_body,
        mesh=plsc.VectorSubcoreMesh(core_axis_name="c", subcore_axis_name="s"),
        out_type=[
            jax.ShapeDtypeStruct((BATCH, 128), jnp.float32),
            jax.ShapeDtypeStruct((BATCH, 128), jnp.float32),
        ],
        scratch_types=[
            pltpu.VMEM((_RPT,), jnp.int32),
            pltpu.VMEM((_RPT,), jnp.int32),
            pltpu.VMEM((_RPT, EMB), jnp.float32),
            pltpu.VMEM((_RPT, EMB), jnp.float32),
            pltpu.SemaphoreType.DMA,
            pltpu.SemaphoreType.DMA,
        ],
        compiler_params=pltpu.CompilerParams(use_tc_tiling_on_sc=False),
    )


_BM = 4096


def _mlp_body(title, raw_u, raw_a, w1t, w1u, w1a, b1, w2, b2, w3, b3, out):
    lg = lax.broadcasted_iota(jnp.int32, (_BM, 128), 1) >> 4
    rg = lax.broadcasted_iota(jnp.int32, (_BM, 128), 0) & 7
    um = jnp.where(lg == rg, raw_u[:], 0.0)
    am = jnp.where(lg == rg, raw_a[:], 0.0)
    h1 = (jnp.dot(title[:], w1t[:], preferred_element_type=jnp.float32)
          + jnp.dot(um, w1u[:], preferred_element_type=jnp.float32)
          + jnp.dot(am, w1a[:], preferred_element_type=jnp.float32)
          + b1[:])
    h1 = jnp.maximum(h1, 0.0)
    h2 = jnp.maximum(jnp.dot(h1, w2[:], preferred_element_type=jnp.float32) + b2[:], 0.0)
    out[:] = jnp.sum(h2 * w3[:].reshape(1, 64), axis=1, keepdims=True) + b3[:]


def _mlp(title_emb, url_flat, author_flat, W1t, W1u, W1a, b1, W2, b2, W3, b3):
    grid = (BATCH // _BM,)
    return pl.pallas_call(
        _mlp_body,
        grid=grid,
        in_specs=[
            pl.BlockSpec((_BM, WORD_DIM), lambda i: (i, 0)),
            pl.BlockSpec((_BM, 128), lambda i: (i, 0)),
            pl.BlockSpec((_BM, 128), lambda i: (i, 0)),
            pl.BlockSpec((WORD_DIM, 128), lambda i: (0, 0)),
            pl.BlockSpec((128, 128), lambda i: (0, 0)),
            pl.BlockSpec((128, 128), lambda i: (0, 0)),
            pl.BlockSpec((1, 128), lambda i: (0, 0)),
            pl.BlockSpec((128, 64), lambda i: (0, 0)),
            pl.BlockSpec((1, 64), lambda i: (0, 0)),
            pl.BlockSpec((64, 1), lambda i: (0, 0)),
            pl.BlockSpec((1, 1), lambda i: (0, 0)),
        ],
        out_specs=pl.BlockSpec((_BM, 1), lambda i: (i, 0)),
        out_shape=jax.ShapeDtypeStruct((BATCH, 1), jnp.float32),
    )(title_emb, url_flat, author_flat, W1t, W1u, W1a, b1, W2, b2, W3, b3)


def kernel(title_emb, url_idx, author_idx, url_table, author_table, W1, b1, W2, b2, W3, b3):
    url_idx = url_idx.astype(jnp.int32)
    author_idx = author_idx.astype(jnp.int32)
    raw_u, raw_a = _sc_gather()(url_table, author_table, url_idx, author_idx)
    W1t = W1[:WORD_DIM]
    W1u = jnp.tile(W1[WORD_DIM:WORD_DIM + EMB], (8, 1))
    W1a = jnp.tile(W1[WORD_DIM + EMB:], (8, 1))
    return _mlp(title_emb, raw_u, raw_a, W1t, W1u, W1a,
                b1.reshape(1, 128), W2, b2.reshape(1, 64), W3, b3.reshape(1, 1))

# --- scband reference (transcript-rebuilt; emitter-appended) ---
"""Pipeline reference for scband-hacker-news-model-57810259804680 (READ-ONLY COPY).

The authoritative reference and input builder live on the scoring server;
editing this copy changes nothing except your own understanding.
"""

import jax, jax.numpy as jnp
import numpy as np

BATCH = 16384
WORD_DIM = 128
NUM_URLS = 1000000
NUM_AUTHORS = 100000
URL_DIM = 16
AUTHOR_DIM = 16
TOTAL_DIM = WORD_DIM + URL_DIM + AUTHOR_DIM


def setup_inputs(seed: int = 0) -> dict:
    key = jax.random.key(seed)
    ks = jax.random.split(key, 12)
    title_emb = jax.random.normal(ks[0], (BATCH, WORD_DIM), dtype=jnp.float32)
    url_idx = jax.random.randint(ks[1], (BATCH,), 0, NUM_URLS + 1, dtype=jnp.int64 if jax.config.jax_enable_x64 else jnp.int32)
    author_idx = jax.random.randint(ks[2], (BATCH,), 0, NUM_AUTHORS + 1, dtype=jnp.int64 if jax.config.jax_enable_x64 else jnp.int32)
    url_table = jax.random.normal(ks[3], (NUM_URLS + 1, URL_DIM), dtype=jnp.float32)
    author_table = jax.random.normal(ks[4], (NUM_AUTHORS + 1, AUTHOR_DIM), dtype=jnp.float32)
    W1 = jax.random.normal(ks[5], (TOTAL_DIM, 128), dtype=jnp.float32) * (1.0 / np.sqrt(TOTAL_DIM))
    b1 = jnp.zeros((128,), dtype=jnp.float32)
    W2 = jax.random.normal(ks[6], (128, 64), dtype=jnp.float32) * (1.0 / np.sqrt(128))
    b2 = jnp.zeros((64,), dtype=jnp.float32)
    W3 = jax.random.normal(ks[7], (64, 1), dtype=jnp.float32) * (1.0 / np.sqrt(64))
    b3 = jnp.zeros((1,), dtype=jnp.float32)
    return {"title_emb": title_emb, "url_idx": url_idx, "author_idx": author_idx,
            "url_table": url_table, "author_table": author_table,
            "W1": W1, "b1": b1, "W2": W2, "b2": b2, "W3": W3, "b3": b3}


def reference(title_emb, url_idx, author_idx, url_table, author_table, W1, b1, W2, b2, W3, b3):
    # Embedding lookups (gather)
    url_emb = jnp.take(url_table, url_idx, axis=0)
    author_emb = jnp.take(author_table, author_idx, axis=0)
    combined = jnp.concatenate([title_emb, url_emb, author_emb], axis=1)
    x = jax.nn.relu(combined @ W1 + b1)
    # dropout is identity in eval mode
    x = jax.nn.relu(x @ W2 + b2)
    x = x @ W3 + b3
    return x

if __name__ == "__main__":
    import jax
    _d = setup_inputs()
    print(jax.jit(kernel)(*tuple(_d.values())))

</pallas_src>

<mosaic_0001>
#map = affine_map<(d0, d1) -> (0, 0)>
#map1 = affine_map<(d0, d1) -> (0)>
module attributes {stable_mosaic.version = 14 : i64} {
  func.func @_sc_gather_body(%arg0: i32, %arg1: i32, %arg2: memref<1000001x16xf32, #tpu.memory_space<hbm>>, %arg3: memref<100001x16xf32, #tpu.memory_space<hbm>>, %arg4: memref<16384xi32, #tpu.memory_space<hbm>>, %arg5: memref<16384xi32, #tpu.memory_space<hbm>>, %arg6: memref<16384x128xf32, #tpu.memory_space<hbm>>, %arg7: memref<16384x128xf32, #tpu.memory_space<hbm>>, %arg8: memref<512xi32, #tpu.memory_space<vmem>>, %arg9: memref<512xi32, #tpu.memory_space<vmem>>, %arg10: memref<512x16xf32, #tpu.memory_space<vmem>>, %arg11: memref<512x16xf32, #tpu.memory_space<vmem>>, %arg12: memref<!tpu.dma_semaphore, #tpu.memory_space<semaphore_mem>>, %arg13: memref<!tpu.dma_semaphore, #tpu.memory_space<semaphore_mem>>) attributes {dimension_semantics = [#tpu.dimension_semantics<core_parallel>, #tpu.dimension_semantics<subcore_parallel>], iteration_bounds = array<i64: 2, 16>, scalar_prefetch = 0 : i64, scratch_operands = 6 : i64, tpu.core_type = #tpu.core_type<sc_vector_subcore>, window_params = [{transform_indices = #map}, {transform_indices = #map}, {transform_indices = #map1}, {transform_indices = #map1}, {transform_indices = #map}, {transform_indices = #map}]} {
    %mul3A = arith.constant 2 : i32
    %mul3A_0 = arith.muli %arg1, %mul3A : i32
    %add3A = arith.addi %mul3A_0, %arg0 : i32
    %mul3A_1 = arith.constant 512 : i32
    %mul3A_2 = arith.muli %add3A, %mul3A_1 : i32
    "tpu.region"() ({
      %run_scoped3A = tpu.sem_alloc : memref<!tpu.dma_semaphore, #tpu.memory_space<semaphore_mem>>
      %dma_start3A_146 = tpu.memref_slice %arg4[%mul3A_2] : memref<16384xi32, #tpu.memory_space<hbm>> -> memref<512xi32, #tpu.memory_space<hbm>>
      %dma_start3A_147 = tpu.memref_slice %arg4[%mul3A_2] : memref<16384xi32, #tpu.memory_space<hbm>> -> memref<512xi32, #tpu.memory_space<hbm>>
      tpu.enqueue_dma source(%dma_start3A_147 : memref<512xi32, #tpu.memory_space<hbm>>) target(%arg8 : memref<512xi32, #tpu.memory_space<vmem>>) target_semaphore(%run_scoped3A : memref<!tpu.dma_semaphore, #tpu.memory_space<semaphore_mem>>)
      %dma_wait3A_148 = tpu.memref_slice %arg4[%mul3A_2] : memref<16384xi32, #tpu.memory_space<hbm>> -> memref<512xi32, #tpu.memory_space<hbm>>
      %dma_wait3A_149 = tpu.memref_slice %arg4[%mul3A_2] : memref<16384xi32, #tpu.memory_space<hbm>> -> memref<512xi32, #tpu.memory_space<hbm>>
      tpu.wait_dma2 semaphore(%run_scoped3A : memref<!tpu.dma_semaphore, #tpu.memory_space<semaphore_mem>>) src(%dma_wait3A_149 : memref<512xi32, #tpu.memory_space<hbm>>) dst(%arg8 : memref<512xi32, #tpu.memory_space<vmem>>)
      tpu.yield
    }) : () -> ()
    "tpu.region"() ({
      %run_scoped3A = tpu.sem_alloc : memref<!tpu.dma_semaphore, #tpu.memory_space<semaphore_mem>>
      %dma_start3A_146 = tpu.memref_slice %arg5[%mul3A_2] : memref<16384xi32, #tpu.memory_space<hbm>> -> memref<512xi32, #tpu.memory_space<hbm>>
      %dma_start3A_147 = tpu.memref_slice %arg5[%mul3A_2] : memref<16384xi32, #tpu.memory_space<hbm>> -> memref<512xi32, #tpu.memory_space<hbm>>
      tpu.enqueue_dma source(%dma_start3A_147 : memref<512xi32, #tpu.memory_space<hbm>>) target(%arg9 : memref<512xi32, #tpu.memory_space<vmem>>) target_semaphore(%run_scoped3A : memref<!tpu.dma_semaphore, #tpu.memory_space<semaphore_mem>>)
      %dma_wait3A_148 = tpu.memref_slice %arg5[%mul3A_2] : memref<16384xi32, #tpu.memory_space<hbm>> -> memref<512xi32, #tpu.memory_space<hbm>>
      %dma_wait3A_149 = tpu.memref_slice %arg5[%mul3A_2] : memref<16384xi32, #tpu.memory_space<hbm>> -> memref<512xi32, #tpu.memory_space<hbm>>
      tpu.wait_dma2 semaphore(%run_scoped3A : memref<!tpu.dma_semaphore, #tpu.memory_space<semaphore_mem>>) src(%dma_wait3A_149 : memref<512xi32, #tpu.memory_space<hbm>>) dst(%arg9 : memref<512xi32, #tpu.memory_space<vmem>>)
      tpu.yield
    }) : () -> ()
    %dma_start3A = arith.constant 0 : i32
    %dma_start3A_3 = arith.constant 0 : i32
    %dma_start3A_4 = tpu.memref_slice %arg10[%dma_start3A, %dma_start3A_3] : memref<512x16xf32, #tpu.memory_space<vmem>> -> memref<128x16xf32, #tpu.memory_space<vmem>>
    %dma_start3A_5 = arith.constant 0 : i32
    %dma_start3A_6 = tpu.memref_slice %arg8[%dma_start3A_5] : memref<512xi32, #tpu.memory_space<vmem>> -> memref<128xi32, #tpu.memory_space<vmem>>
    %dma_start3A_7 = arith.constant 0 : i32
    %dma_start3A_8 = arith.constant 0 : i32
    %dma_start3A_9 = tpu.memref_slice %arg2[%dma_start3A_7, %dma_start3A_8] : memref<1000001x16xf32, #tpu.memory_space<hbm>> -> memref<1000001x16xf32, #tpu.memory_space<hbm>>
    tpu.enqueue_indirect_dma source(%dma_start3A_9 : memref<1000001x16xf32, #tpu.memory_space<hbm>>) target(%dma_start3A_4 : memref<128x16xf32, #tpu.memory_space<vmem>>) offsets(%dma_start3A_6 : memref<128xi32, #tpu.memory_space<vmem>>) semaphore(%arg12 : memref<!tpu.dma_semaphore, #tpu.memory_space<semaphore_mem>>)
    %dma_start3A_10 = arith.constant 0 : i32
    %dma_start3A_11 = arith.constant 0 : i32
    %dma_start3A_12 = tpu.memref_slice %arg11[%dma_start3A_10, %dma_start3A_11] : memref<512x16xf32, #tpu.memory_space<vmem>> -> memref<128x16xf32, #tpu.memory_space<vmem>>
    %dma_start3A_13 = arith.constant 0 : i32
    %dma_start3A_14 = tpu.memref_slice %arg9[%dma_start3A_13] : memref<512xi32, #tpu.memory_space<vmem>> -> memref<128xi32, #tpu.memory_space<vmem>>
    %dma_start3A_15 = arith.constant 0 : i32
    %dma_start3A_16 = arith.constant 0 : i32
    %dma_start3A_17 = tpu.memref_slice %arg3[%dma_start3A_15, %dma_start3A_16] : memref<100001x16xf32, #tpu.memory_space<hbm>> -> memref<100001x16xf32, #tpu.memory_space<hbm>>
    tpu.enqueue_indirect_dma source(%dma_start3A_17 : memref<100001x16xf32, #tpu.memory_space<hbm>>) target(%dma_start3A_12 : memref<128x16xf32, #tpu.memory_space<vmem>>) offsets(%dma_start3A_14 : memref<128xi32, #tpu.memory_space<vmem>>) semaphore(%arg12 : memref<!tpu.dma_semaphore, #tpu.memory_space<semaphore_mem>>)
    %dma_start3A_18 = arith.constant 128 : i32
    %dma_start3A_19 = arith.constant 0 : i32
    %dma_start3A_20 = tpu.memref_slice %arg10[%dma_start3A_18, %dma_start3A_19] : memref<512x16xf32, #tpu.memory_space<vmem>> -> memref<128x16xf32, #tpu.memory_space<vmem>>
    %dma_start3A_21 = arith.constant 128 : i32
    %dma_start3A_22 = tpu.memref_slice %arg8[%dma_start3A_21] : memref<512xi32, #tpu.memory_space<vmem>> -> memref<128xi32, #tpu.memory_space<vmem>>
    %dma_start3A_23 = arith.constant 0 : i32
    %dma_start3A_24 = arith.constant 0 : i32
    %dma_start3A_25 = tpu.memref_slice %arg2[%dma_start3A_23, %dma_start3A_24] : memref<1000001x16xf32, #tpu.memory_space<hbm>> -> memref<1000001x16xf32, #tpu.memory_space<hbm>>
    tpu.enqueue_indirect_dma source(%dma_start3A_25 : memref<1000001x16xf32, #tpu.memory_space<hbm>>) target(%dma_start3A_20 : memref<128x16xf32, #tpu.memory_space<vmem>>) offsets(%dma_start3A_22 : memref<128xi32, #tpu.memory_space<vmem>>) semaphore(%arg12 : memref<!tpu.dma_semaphore, #tpu.memory_space<semaphore_mem>>)
    %dma_start3A_26 = arith.constant 128 : i32
    %dma_start3A_27 = arith.constant 0 : i32
    %dma_start3A_28 = tpu.memref_slice %arg11[%dma_start3A_26, %dma_start3A_27] : memref<512x16xf32, #tpu.memory_space<vmem>> -> memref<128x16xf32, #tpu.memory_space<vmem>>
    %dma_start3A_29 = arith.constant 128 : i32
    %dma_start3A_30 = tpu.memref_slice %arg9[%dma_start3A_29] : memref<512xi32, #tpu.memory_space<vmem>> -> memref<128xi32, #tpu.memory_space<vmem>>
    %dma_start3A_31 = arith.constant 0 : i32
    %dma_start3A_32 = arith.constant 0 : i32
    %dma_start3A_33 = tpu.memref_slice %arg3[%dma_start3A_31, %dma_start3A_32] : memref<100001x16xf32, #tpu.memory_space<hbm>> -> memref<100001x16xf32, #tpu.memory_space<hbm>>
    tpu.enqueue_indirect_dma source(%dma_start3A_33 : memref<100001x16xf32, #tpu.memory_space<hbm>>) target(%dma_start3A_28 : memref<128x16xf32, #tpu.memory_space<vmem>>) offsets(%dma_start3A_30 : memref<128xi32, #tpu.memory_space<vmem>>) semaphore(%arg12 : memref<!tpu.dma_semaphore, #tpu.memory_space<semaphore_mem>>)
    %dma_start3A_34 = arith.constant 256 : i32
    %dma_start3A_35 = arith.constant 0 : i32
    %dma_start3A_36 = tpu.memref_slice %arg10[%dma_start3A_34, %dma_start3A_35] : memref<512x16xf32, #tpu.memory_space<vmem>> -> memref<128x16xf32, #tpu.memory_space<vmem>>
    %dma_start3A_37 = arith.constant 256 : i32
    %dma_start3A_38 = tpu.memref_slice %arg8[%dma_start3A_37] : memref<512xi32, #tpu.memory_space<vmem>> -> memref<128xi32, #tpu.memory_space<vmem>>
    %dma_start3A_39 = arith.constant 0 : i32
    %dma_start3A_40 = arith.constant 0 : i32
    %dma_start3A_41 = tpu.memref_slice %arg2[%dma_start3A_39, %dma_start3A_40] : memref<1000001x16xf32, #tpu.memory_space<hbm>> -> memref<1000001x16xf32, #tpu.memory_space<hbm>>
    tpu.enqueue_indirect_dma source(%dma_start3A_41 : memref<1000001x16xf32, #tpu.memory_space<hbm>>) target(%dma_start3A_36 : memref<128x16xf32, #tpu.memory_space<vmem>>) offsets(%dma_start3A_38 : memref<128xi32, #tpu.memory_space<vmem>>) semaphore(%arg12 : memref<!tpu.dma_semaphore, #tpu.memory_space<semaphore_mem>>)
    %dma_start3A_42 = arith.constant 256 : i32
    %dma_start3A_43 = arith.constant 0 : i32
    %dma_start3A_44 = tpu.memref_slice %arg11[%dma_start3A_42, %dma_start3A_43] : memref<512x16xf32, #tpu.memory_space<vmem>> -> memref<128x16xf32, #tpu.memory_space<vmem>>
    %dma_start3A_45 = arith.constant 256 : i32
    %dma_start3A_46 = tpu.memref_slice %arg9[%dma_start3A_45] : memref<512xi32, #tpu.memory_space<vmem>> -> memref<128xi32, #tpu.memory_space<vmem>>
    %dma_start3A_47 = arith.constant 0 : i32
    %dma_start3A_48 = arith.constant 0 : i32
    %dma_start3A_49 = tpu.memref_slice %arg3[%dma_start3A_47, %dma_start3A_48] : memref<100001x16xf32, #tpu.memory_space<hbm>> -> memref<100001x16xf32, #tpu.memory_space<hbm>>
    tpu.enqueue_indirect_dma source(%dma_start3A_49 : memref<100001x16xf32, #tpu.memory_space<hbm>>) target(%dma_start3A_44 : memref<128x16xf32, #tpu.memory_space<vmem>>) offsets(%dma_start3A_46 : memref<128xi32, #tpu.memory_space<vmem>>) semaphore(%arg12 : memref<!tpu.dma_semaphore, #tpu.memory_space<semaphore_mem>>)
    %dma_start3A_50 = arith.constant 384 : i32
    %dma_start3A_51 = arith.constant 0 : i32
    %dma_start3A_52 = tpu.memref_slice %arg10[%dma_start3A_50, %dma_start3A_51] : memref<512x16xf32, #tpu.memory_space<vmem>> -> memref<128x16xf32, #tpu.memory_space<vmem>>
    %dma_start3A_53 = arith.constant 384 : i32
    %dma_start3A_54 = tpu.memref_slice %arg8[%dma_start3A_53] : memref<512xi32, #tpu.memory_space<vmem>> -> memref<128xi32, #tpu.memory_space<vmem>>
    %dma_start3A_55 = arith.constant 0 : i32
    %dma_start3A_56 = arith.constant 0 : i32
    %dma_start3A_57 = tpu.memref_slice %arg2[%dma_start3A_55, %dma_start3A_56] : memref<1000001x16xf32, #tpu.memory_space<hbm>> -> memref<1000001x16xf32, #tpu.memory_space<hbm>>
    tpu.enqueue_indirect_dma source(%dma_start3A_57 : memref<1000001x16xf32, #tpu.memory_space<hbm>>) target(%dma_start3A_52 : memref<128x16xf32, #tpu.memory_space<vmem>>) offsets(%dma_start3A_54 : memref<128xi32, #tpu.memory_space<vmem>>) semaphore(%arg12 : memref<!tpu.dma_semaphore, #tpu.memory_space<semaphore_mem>>)
    %dma_start3A_58 = arith.constant 384 : i32
    %dma_start3A_59 = arith.constant 0 : i32
    %dma_start3A_60 = tpu.memref_slice %arg11[%dma_start3A_58, %dma_start3A_59] : memref<512x16xf32, #tpu.memory_space<vmem>> -> memref<128x16xf32, #tpu.memory_space<vmem>>
    %dma_start3A_61 = arith.constant 384 : i32
    %dma_start3A_62 = tpu.memref_slice %arg9[%dma_start3A_61] : memref<512xi32, #tpu.memory_space<vmem>> -> memref<128xi32, #tpu.memory_space<vmem>>
    %dma_start3A_63 = arith.constant 0 : i32
    %dma_start3A_64 = arith.constant 0 : i32
    %dma_start3A_65 = tpu.memref_slice %arg3[%dma_start3A_63, %dma_start3A_64] : memref<100001x16xf32, #tpu.memory_space<hbm>> -> memref<100001x16xf32, #tpu.memory_space<hbm>>
    tpu.enqueue_indirect_dma source(%dma_start3A_65 : memref<100001x16xf32, #tpu.memory_space<hbm>>) target(%dma_start3A_60 : memref<128x16xf32, #tpu.memory_space<vmem>>) offsets(%dma_start3A_62 : memref<128xi32, #tpu.memory_space<vmem>>) semaphore(%arg12 : memref<!tpu.dma_semaphore, #tpu.memory_space<semaphore_mem>>)
    %dma_wait3A = arith.constant 0 : i32
    %dma_wait3A_66 = arith.constant 0 : i32
    %dma_wait3A_67 = tpu.memref_slice %arg10[%dma_wait3A, %dma_wait3A_66] : memref<512x16xf32, #tpu.memory_space<vmem>> -> memref<128x16xf32, #tpu.memory_space<vmem>>
    %dma_wait3A_68 = arith.constant 0 : i32
    %dma_wait3A_69 = tpu.memref_slice %arg8[%dma_wait3A_68] : memref<512xi32, #tpu.memory_space<vmem>> -> memref<128xi32, #tpu.memory_space<vmem>>
    %dma_wait3A_70 = arith.constant 0 : i32
    %dma_wait3A_71 = arith.constant 0 : i32
    %dma_wait3A_72 = tpu.memref_slice %arg2[%dma_wait3A_70, %dma_wait3A_71] : memref<1000001x16xf32, #tpu.memory_space<hbm>> -> memref<1000001x16xf32, #tpu.memory_space<hbm>>
    tpu.wait_indirect_dma semaphore(%arg12 : memref<!tpu.dma_semaphore, #tpu.memory_space<semaphore_mem>>) src(%dma_wait3A_72 : memref<1000001x16xf32, #tpu.memory_space<hbm>>) dst(%dma_wait3A_67 : memref<128x16xf32, #tpu.memory_space<vmem>>)
    %dma_wait3A_73 = arith.constant 0 : i32
    %dma_wait3A_74 = arith.constant 0 : i32
    %dma_wait3A_75 = tpu.memref_slice %arg11[%dma_wait3A_73, %dma_wait3A_74] : memref<512x16xf32, #tpu.memory_space<vmem>> -> memref<128x16xf32, #tpu.memory_space<vmem>>
    %dma_wait3A_76 = arith.constant 0 : i32
    %dma_wait3A_77 = tpu.memref_slice %arg9[%dma_wait3A_76] : memref<512xi32, #tpu.memory_space<vmem>> -> memref<128xi32, #tpu.memory_space<vmem>>
    %dma_wait3A_78 = arith.constant 0 : i32
    %dma_wait3A_79 = arith.constant 0 : i32
    %dma_wait3A_80 = tpu.memref_slice %arg3[%dma_wait3A_78, %dma_wait3A_79] : memref<100001x16xf32, #tpu.memory_space<hbm>> -> memref<100001x16xf32, #tpu.memory_space<hbm>>
    tpu.wait_indirect_dma semaphore(%arg12 : memref<!tpu.dma_semaphore, #tpu.memory_space<semaphore_mem>>) src(%dma_wait3A_80 : memref<100001x16xf32, #tpu.memory_space<hbm>>) dst(%dma_wait3A_75 : memref<128x16xf32, #tpu.memory_space<vmem>>)
    %dma_wait3A_81 = arith.constant 128 : i32
    %dma_wait3A_82 = arith.constant 0 : i32
    %dma_wait3A_83 = tpu.memref_slice %arg10[%dma_wait3A_81, %dma_wait3A_82] : memref<512x16xf32, #tpu.memory_space<vmem>> -> memref<128x16xf32, #tpu.memory_space<vmem>>
    %dma_wait3A_84 = arith.constant 128 : i32
    %dma_wait3A_85 = tpu.memref_slice %arg8[%dma_wait3A_84] : memref<512xi32, #tpu.memory_space<vmem>> -> memref<128xi32, #tpu.memory_space<vmem>>
    %dma_wait3A_86 = arith.constant 0 : i32
    %dma_wait3A_87 = arith.constant 0 : i32
    %dma_wait3A_88 = tpu.memref_slice %arg2[%dma_wait3A_86, %dma_wait3A_87] : memref<1000001x16xf32, #tpu.memory_space<hbm>> -> memref<1000001x16xf32, #tpu.memory_space<hbm>>
    tpu.wait_indirect_dma semaphore(%arg12 : memref<!tpu.dma_semaphore, #tpu.memory_space<semaphore_mem>>) src(%dma_wait3A_88 : memref<1000001x16xf32, #tpu.memory_space<hbm>>) dst(%dma_wait3A_83 : memref<128x16xf32, #tpu.memory_space<vmem>>)
    %dma_wait3A_89 = arith.constant 128 : i32
    %dma_wait3A_90 = arith.constant 0 : i32
    %dma_wait3A_91 = tpu.memref_slice %arg11[%dma_wait3A_89, %dma_wait3A_90] : memref<512x16xf32, #tpu.memory_space<vmem>> -> memref<128x16xf32, #tpu.memory_space<vmem>>
    %dma_wait3A_92 = arith.constant 128 : i32
    %dma_wait3A_93 = tpu.memref_slice %arg9[%dma_wait3A_92] : memref<512xi32, #tpu.memory_space<vmem>> -> memref<128xi32, #tpu.memory_space<vmem>>
    %dma_wait3A_94 = arith.constant 0 : i32
    %dma_wait3A_95 = arith.constant 0 : i32
    %dma_wait3A_96 = tpu.memref_slice %arg3[%dma_wait3A_94, %dma_wait3A_95] : memref<100001x16xf32, #tpu.memory_space<hbm>> -> memref<100001x16xf32, #tpu.memory_space<hbm>>
    tpu.wait_indirect_dma semaphore(%arg12 : memref<!tpu.dma_semaphore, #tpu.memory_space<semaphore_mem>>) src(%dma_wait3A_96 : memref<100001x16xf32, #tpu.memory_space<hbm>>) dst(%dma_wait3A_91 : memref<128x16xf32, #tpu.memory_space<vmem>>)
    %dma_wait3A_97 = arith.constant 256 : i32
    %dma_wait3A_98 = arith.constant 0 : i32
    %dma_wait3A_99 = tpu.memref_slice %arg10[%dma_wait3A_97, %dma_wait3A_98] : memref<512x16xf32, #tpu.memory_space<vmem>> -> memref<128x16xf32, #tpu.memory_space<vmem>>
    %dma_wait3A_100 = arith.constant 256 : i32
    %dma_wait3A_101 = tpu.memref_slice %arg8[%dma_wait3A_100] : memref<512xi32, #tpu.memory_space<vmem>> -> memref<128xi32, #tpu.memory_space<vmem>>
    %dma_wait3A_102 = arith.constant 0 : i32
    %dma_wait3A_103 = arith.constant 0 : i32
    %dma_wait3A_104 = tpu.memref_slice %arg2[%dma_wait3A_102, %dma_wait3A_103] : memref<1000001x16xf32, #tpu.memory_space<hbm>> -> memref<1000001x16xf32, #tpu.memory_space<hbm>>
    tpu.wait_indirect_dma semaphore(%arg12 : memref<!tpu.dma_semaphore, #tpu.memory_space<semaphore_mem>>) src(%dma_wait3A_104 : memref<1000001x16xf32, #tpu.memory_space<hbm>>) dst(%dma_wait3A_99 : memref<128x16xf32, #tpu.memory_space<vmem>>)
    %dma_wait3A_105 = arith.constant 256 : i32
    %dma_wait3A_106 = arith.constant 0 : i32
    %dma_wait3A_107 = tpu.memref_slice %arg11[%dma_wait3A_105, %dma_wait3A_106] : memref<512x16xf32, #tpu.memory_space<vmem>> -> memref<128x16xf32, #tpu.memory_space<vmem>>
    %dma_wait3A_108 = arith.constant 256 : i32
    %dma_wait3A_109 = tpu.memref_slice %arg9[%dma_wait3A_108] : memref<512xi32, #tpu.memory_space<vmem>> -> memref<128xi32, #tpu.memory_space<vmem>>
    %dma_wait3A_110 = arith.constant 0 : i32
    %dma_wait3A_111 = arith.constant 0 : i32
    %dma_wait3A_112 = tpu.memref_slice %arg3[%dma_wait3A_110, %dma_wait3A_111] : memref<100001x16xf32, #tpu.memory_space<hbm>> -> memref<100001x16xf32, #tpu.memory_space<hbm>>
    tpu.wait_indirect_dma semaphore(%arg12 : memref<!tpu.dma_semaphore, #tpu.memory_space<semaphore_mem>>) src(%dma_wait3A_112 : memref<100001x16xf32, #tpu.memory_space<hbm>>) dst(%dma_wait3A_107 : memref<128x16xf32, #tpu.memory_space<vmem>>)
    %dma_wait3A_113 = arith.constant 384 : i32
    %dma_wait3A_114 = arith.constant 0 : i32
    %dma_wait3A_115 = tpu.memref_slice %arg10[%dma_wait3A_113, %dma_wait3A_114] : memref<512x16xf32, #tpu.memory_space<vmem>> -> memref<128x16xf32, #tpu.memory_space<vmem>>
    %dma_wait3A_116 = arith.constant 384 : i32
    %dma_wait3A_117 = tpu.memref_slice %arg8[%dma_wait3A_116] : memref<512xi32, #tpu.memory_space<vmem>> -> memref<128xi32, #tpu.memory_space<vmem>>
    %dma_wait3A_118 = arith.constant 0 : i32
    %dma_wait3A_119 = arith.constant 0 : i32
    %dma_wait3A_120 = tpu.memref_slice %arg2[%dma_wait3A_118, %dma_wait3A_119] : memref<1000001x16xf32, #tpu.memory_space<hbm>> -> memref<1000001x16xf32, #tpu.memory_space<hbm>>
    tpu.wait_indirect_dma semaphore(%arg12 : memref<!tpu.dma_semaphore, #tpu.memory_space<semaphore_mem>>) src(%dma_wait3A_120 : memref<1000001x16xf32, #tpu.memory_space<hbm>>) dst(%dma_wait3A_115 : memref<128x16xf32, #tpu.memory_space<vmem>>)
    %dma_wait3A_121 = arith.constant 384 : i32
    %dma_wait3A_122 = arith.constant 0 : i32
    %dma_wait3A_123 = tpu.memref_slice %arg11[%dma_wait3A_121, %dma_wait3A_122] : memref<512x16xf32, #tpu.memory_space<vmem>> -> memref<128x16xf32, #tpu.memory_space<vmem>>
    %dma_wait3A_124 = arith.constant 384 : i32
    %dma_wait3A_125 = tpu.memref_slice %arg9[%dma_wait3A_124] : memref<512xi32, #tpu.memory_space<vmem>> -> memref<128xi32, #tpu.memory_space<vmem>>
    %dma_wait3A_126 = arith.constant 0 : i32
    %dma_wait3A_127 = arith.constant 0 : i32
    %dma_wait3A_128 = tpu.memref_slice %arg3[%dma_wait3A_126, %dma_wait3A_127] : memref<100001x16xf32, #tpu.memory_space<hbm>> -> memref<100001x16xf32, #tpu.memory_space<hbm>>
    tpu.wait_indirect_dma semaphore(%arg12 : memref<!tpu.dma_semaphore, #tpu.memory_space<semaphore_mem>>) src(%dma_wait3A_128 : memref<100001x16xf32, #tpu.memory_space<hbm>>) dst(%dma_wait3A_123 : memref<128x16xf32, #tpu.memory_space<vmem>>)
    %scan3A = arith.constant 0 : i32
    %scan3A_129 = arith.constant 0 : i32
    %scan3A_130 = arith.constant 512 : i32
    %scan3A_131 = arith.addi %scan3A_129, %scan3A_130 : i32
    %scan3A_132 = arith.constant 1 : i32
    scf.for %scan3A_146 = %scan3A_129 to %scan3A_131 step %scan3A_132  : i32 {
      %jit3A = arith.constant 8 : i32
      %eq3A = arith.constant 0 : i32
      %eq3A_147 = arith.cmpi eq, %jit3A, %eq3A : i32
      %jit3A_148 = arith.constant 1 : i32
      %select_n3A = arith.select %eq3A_147, %jit3A_148, %jit3A : i32
      %rem3A = arith.remsi %scan3A_146, %select_n3A : i32
      %ne3A = arith.constant 0 : i32
      %ne3A_149 = arith.cmpi ne, %rem3A, %ne3A : i32
      %lt3A = arith.constant 0 : i32
      %lt3A_150 = arith.cmpi slt, %rem3A, %lt3A : i32
      %lt3A_151 = arith.constant 0 : i32
      %lt3A_152 = arith.cmpi slt, %select_n3A, %lt3A_151 : i32
      %ne3A_153 = arith.xori %lt3A_150, %lt3A_152 : i1
      %and3A = arith.andi %ne3A_153, %ne3A_149 : i1
      %add3A_154 = arith.addi %rem3A, %select_n3A : i32
      %select_n3A_155 = arith.select %and3A, %add3A_154, %rem3A : i32
      %mul3A_156 = arith.constant 16 : i32
      %mul3A_157 = arith.muli %select_n3A_155, %mul3A_156 : i32
      %add3A_158 = arith.addi %mul3A_2, %scan3A_146 : i32
      %dma_start3A_159 = arith.constant 0 : i32
      %dma_start3A_160 = tpu.memref_slice %arg10[%scan3A_146, %dma_start3A_159] : memref<512x16xf32, #tpu.memory_space<vmem>> -> memref<1x16xf32, #tpu.memory_space<vmem>>
      %dma_start3A_161 = tpu.memref_squeeze %dma_start3A_160 : memref<1x16xf32, #tpu.memory_space<vmem>> -> memref<16xf32, #tpu.memory_space<vmem>>
      %dma_start3A_162 = tpu.memref_slice %arg6[%add3A_158, %mul3A_157] : memref<16384x128xf32, #tpu.memory_space<hbm>> -> memref<1x16xf32, #tpu.memory_space<hbm>>
      %dma_start3A_163 = tpu.memref_squeeze %dma_start3A_162 : memref<1x16xf32, #tpu.memory_space<hbm>> -> memref<16xf32, #tpu.memory_space<hbm>>
      %dma_start3A_164 = tpu.memref_slice %arg6[%add3A_158, %mul3A_157] : memref<16384x128xf32, #tpu.memory_space<hbm>> -> memref<1x16xf32, #tpu.memory_space<hbm>>
      %dma_start3A_165 = tpu.memref_squeeze %dma_start3A_164 : memref<1x16xf32, #tpu.memory_space<hbm>> -> memref<16xf32, #tpu.memory_space<hbm>>
      %dma_start3A_166 = arith.constant 0 : i32
      %dma_start3A_167 = tpu.memref_slice %arg10[%scan3A_146, %dma_start3A_166] : memref<512x16xf32, #tpu.memory_space<vmem>> -> memref<1x16xf32, #tpu.memory_space<vmem>>
      %dma_start3A_168 = tpu.memref_squeeze %dma_start3A_167 : memref<1x16xf32, #tpu.memory_space<vmem>> -> memref<16xf32, #tpu.memory_space<vmem>>
      tpu.enqueue_dma source(%dma_start3A_168 : memref<16xf32, #tpu.memory_space<vmem>>) target(%dma_start3A_165 : memref<16xf32, #tpu.memory_space<hbm>>) target_semaphore(%arg13 : memref<!tpu.dma_semaphore, #tpu.memory_space<semaphore_mem>>)
      %add3A_169 = arith.addi %mul3A_2, %scan3A_146 : i32
      %dma_start3A_170 = arith.constant 0 : i32
      %dma_start3A_171 = tpu.memref_slice %arg11[%scan3A_146, %dma_start3A_170] : memref<512x16xf32, #tpu.memory_space<vmem>> -> memref<1x16xf32, #tpu.memory_space<vmem>>
      %dma_start3A_172 = tpu.memref_squeeze %dma_start3A_171 : memref<1x16xf32, #tpu.memory_space<vmem>> -> memref<16xf32, #tpu.memory_space<vmem>>
      %dma_start3A_173 = tpu.memref_slice %arg7[%add3A_169, %mul3A_157] : memref<16384x128xf32, #tpu.memory_space<hbm>> -> memref<1x16xf32, #tpu.memory_space<hbm>>
      %dma_start3A_174 = tpu.memref_squeeze %dma_start3A_173 : memref<1x16xf32, #tpu.memory_space<hbm>> -> memref<16xf32, #tpu.memory_space<hbm>>
      %dma_start3A_175 = tpu.memref_slice %arg7[%add3A_169, %mul3A_157] : memref<16384x128xf32, #tpu.memory_space<hbm>> -> memref<1x16xf32, #tpu.memory_space<hbm>>
      %dma_start3A_176 = tpu.memref_squeeze %dma_start3A_175 : memref<1x16xf32, #tpu.memory_space<hbm>> -> memref<16xf32, #tpu.memory_space<hbm>>
      %dma_start3A_177 = arith.constant 0 : i32
      %dma_start3A_178 = tpu.memref_slice %arg11[%scan3A_146, %dma_start3A_177] : memref<512x16xf32, #tpu.memory_space<vmem>> -> memref<1x16xf32, #tpu.memory_space<vmem>>
      %dma_start3A_179 = tpu.memref_squeeze %dma_start3A_178 : memref<1x16xf32, #tpu.memory_space<vmem>> -> memref<16xf32, #tpu.memory_space<vmem>>
      tpu.enqueue_dma source(%dma_start3A_179 : memref<16xf32, #tpu.memory_space<vmem>>) target(%dma_start3A_176 : memref<16xf32, #tpu.memory_space<hbm>>) target_semaphore(%arg13 : memref<!tpu.dma_semaphore, #tpu.memory_space<semaphore_mem>>)
    }
    %scan3A_133 = arith.constant 512 : i32
    %dma_wait3A_134 = arith.constant 0 : i32
    %dma_wait3A_135 = arith.constant 0 : i32
    %dma_wait3A_136 = tpu.memref_slice %arg2[%dma_wait3A_134, %dma_wait3A_135] : memref<1000001x16xf32, #tpu.memory_space<hbm>> -> memref<512x16xf32, #tpu.memory_space<hbm>>
    %dma_wait3A_137 = arith.constant 0 : i32
    %dma_wait3A_138 = arith.constant 0 : i32
    %dma_wait3A_139 = tpu.memref_slice %arg2[%dma_wait3A_137, %dma_wait3A_138] : memref<1000001x16xf32, #tpu.memory_space<hbm>> -> memref<512x16xf32, #tpu.memory_space<hbm>>
    tpu.wait_dma2 semaphore(%arg13 : memref<!tpu.dma_semaphore, #tpu.memory_space<semaphore_mem>>) src(%dma_wait3A_139 : memref<512x16xf32, #tpu.memory_space<hbm>>) dst(%arg10 : memref<512x16xf32, #tpu.memory_space<vmem>>)
    %dma_wait3A_140 = arith.constant 0 : i32
    %dma_wait3A_141 = arith.constant 0 : i32
    %dma_wait3A_142 = tpu.memref_slice %arg3[%dma_wait3A_140, %dma_wait3A_141] : memref<100001x16xf32, #tpu.memory_space<hbm>> -> memref<512x16xf32, #tpu.memory_space<hbm>>
    %dma_wait3A_143 = arith.constant 0 : i32
    %dma_wait3A_144 = arith.constant 0 : i32
    %dma_wait3A_145 = tpu.memref_slice %arg3[%dma_wait3A_143, %dma_wait3A_144] : memref<100001x16xf32, #tpu.memory_space<hbm>> -> memref<512x16xf32, #tpu.memory_space<hbm>>
    tpu.wait_dma2 semaphore(%arg13 : memref<!tpu.dma_semaphore, #tpu.memory_space<semaphore_mem>>) src(%dma_wait3A_145 : memref<512x16xf32, #tpu.memory_space<hbm>>) dst(%arg11 : memref<512x16xf32, #tpu.memory_space<vmem>>)
    return
  }
}

module attributes {stable_mosaic.version = 14 : i64} {
  func.func @_mlp_body(%arg0: i32, %arg1: memref<4096x128xf32, #tpu.memory_space<vmem>>, %arg2: memref<4096x128xf32, #tpu.memory_space<vmem>>, %arg3: memref<4096x128xf32, #tpu.memory_space<vmem>>, %arg4: memref<128x128xf32, #tpu.memory_space<vmem>>, %arg5: memref<128x128xf32, #tpu.memory_space<vmem>>, %arg6: memref<128x128xf32, #tpu.memory_space<vmem>>, %arg7: memref<1x128xf32, #tpu.memory_space<vmem>>, %arg8: memref<128x64xf32, #tpu.memory_space<vmem>>, %arg9: memref<1x64xf32, #tpu.memory_space<vmem>>, %arg10: memref<64x1xf32, #tpu.memory_space<vmem>>, %arg11: memref<1x1xf32, #tpu.memory_space<vmem>>, %arg12: memref<4096x1xf32, #tpu.memory_space<vmem>>) attributes {dimension_semantics = [#tpu.dimension_semantics<arbitrary>], iteration_bounds = array<i64: 4>, scalar_prefetch = 0 : i64, scratch_operands = 0 : i64, tpu.core_type = #tpu.core_type<tc>, window_params = [{transform_indices = @transform_0, window_bounds = array<i64: 4096, 128>}, {transform_indices = @transform_1, window_bounds = array<i64: 4096, 128>}, {transform_indices = @transform_2, window_bounds = array<i64: 4096, 128>}, {pipeline_mode = #tpu.pipeline_mode<synchronous>, transform_indices = @transform_3, window_bounds = array<i64: 128, 128>}, {pipeline_mode = #tpu.pipeline_mode<synchronous>, transform_indices = @transform_4, window_bounds = array<i64: 128, 128>}, {pipeline_mode = #tpu.pipeline_mode<synchronous>, transform_indices = @transform_5, window_bounds = array<i64: 128, 128>}, {pipeline_mode = #tpu.pipeline_mode<synchronous>, transform_indices = @transform_6, window_bounds = array<i64: 1, 128>}, {pipeline_mode = #tpu.pipeline_mode<synchronous>, transform_indices = @transform_7, window_bounds = array<i64: 128, 64>}, {pipeline_mode = #tpu.pipeline_mode<synchronous>, transform_indices = @transform_8, window_bounds = array<i64: 1, 64>}, {pipeline_mode = #tpu.pipeline_mode<synchronous>, transform_indices = @transform_9, window_bounds = array<i64: 64, 1>}, {pipeline_mode = #tpu.pipeline_mode<synchronous>, transform_indices = @transform_10, window_bounds = array<i64: 1, 1>}, {transform_indices = @transform_11, window_bounds = array<i64: 4096, 1>}]} {
    %iota3A = tpu.iota {dimensions = array<i32: 1>} : vector<4096x128xi32>
    %shift_right_arithmetic3A = arith.constant 4 : i32
    %shift_right_arithmetic3A_0 = vector.broadcast %shift_right_arithmetic3A : i32 to vector<4096x128xi32>
    %shift_right_arithmetic3A_1 = arith.shrsi %iota3A, %shift_right_arithmetic3A_0 : vector<4096x128xi32>
    %iota3A_2 = tpu.iota {dimensions = array<i32: 0>} : vector<4096x128xi32>
    %and3A = arith.constant 7 : i32
    %and3A_3 = vector.broadcast %and3A : i32 to vector<4096x128xi32>
    %and3A_4 = arith.andi %iota3A_2, %and3A_3 : vector<4096x128xi32>
    %eq3A = arith.cmpi eq, %shift_right_arithmetic3A_1, %and3A_4 : vector<4096x128xi32>
    %get3A = arith.constant 0 : index
    %get3A_5 = arith.constant 0 : index
    %get3A_6 = vector.load %arg2[%get3A, %get3A_5] : memref<4096x128xf32, #tpu.memory_space<vmem>>, vector<4096x128xf32>
    %jit3A = arith.constant 0.000000e+00 : f32
    %broadcast_in_dim3A = vector.broadcast %jit3A : f32 to vector<4096x128xf32>
    %select_n3A = arith.select %eq3A, %get3A_6, %broadcast_in_dim3A : vector<4096x128xi1>, vector<4096x128xf32>
    %eq3A_7 = arith.cmpi eq, %shift_right_arithmetic3A_1, %and3A_4 : vector<4096x128xi32>
    %get3A_8 = arith.constant 0 : index
    %get3A_9 = arith.constant 0 : index
    %get3A_10 = vector.load %arg3[%get3A_8, %get3A_9] : memref<4096x128xf32, #tpu.memory_space<vmem>>, vector<4096x128xf32>
    %jit3A_11 = arith.constant 0.000000e+00 : f32
    %broadcast_in_dim3A_12 = vector.broadcast %jit3A_11 : f32 to vector<4096x128xf32>
    %select_n3A_13 = arith.select %eq3A_7, %get3A_10, %broadcast_in_dim3A_12 : vector<4096x128xi1>, vector<4096x128xf32>
    %get3A_14 = arith.constant 0 : index
    %get3A_15 = arith.constant 0 : index
    %get3A_16 = vector.load %arg1[%get3A_14, %get3A_15] : memref<4096x128xf32, #tpu.memory_space<vmem>>, vector<4096x128xf32>
    %get3A_17 = arith.constant 0 : index
    %get3A_18 = arith.constant 0 : index
    %get3A_19 = vector.load %arg4[%get3A_17, %get3A_18] : memref<128x128xf32, #tpu.memory_space<vmem>>, vector<128x128xf32>
    %dot_general3A = arith.constant dense<0.000000e+00> : vector<4096x128xf32>
    %dot_general3A_20 = tpu.matmul %get3A_16, %get3A_19, %dot_general3A {dimension_numbers = #tpu.dot_dimension_numbers<[1], [0], [0], [1], [0, 0, 1, 1], [], []>, transpose_lhs_hint = false} : vector<4096x128xf32>, vector<128x128xf32>, vector<4096x128xf32> -> vector<4096x128xf32>
    %get3A_21 = arith.constant 0 : index
    %get3A_22 = arith.constant 0 : index
    %get3A_23 = vector.load %arg5[%get3A_21, %get3A_22] : memref<128x128xf32, #tpu.memory_space<vmem>>, vector<128x128xf32>
    %dot_general3A_24 = arith.constant dense<0.000000e+00> : vector<4096x128xf32>
    %dot_general3A_25 = tpu.matmul %select_n3A, %get3A_23, %dot_general3A_24 {dimension_numbers = #tpu.dot_dimension_numbers<[1], [0], [0], [1], [0, 0, 1, 1], [], []>, transpose_lhs_hint = false} : vector<4096x128xf32>, vector<128x128xf32>, vector<4096x128xf32> -> vector<4096x128xf32>
    %add3A = arith.addf %dot_general3A_20, %dot_general3A_25 : vector<4096x128xf32>
    %get3A_26 = arith.constant 0 : index
    %get3A_27 = arith.constant 0 : index
    %get3A_28 = vector.load %arg6[%get3A_26, %get3A_27] : memref<128x128xf32, #tpu.memory_space<vmem>>, vector<128x128xf32>
    %dot_general3A_29 = arith.constant dense<0.000000e+00> : vector<4096x128xf32>
    %dot_general3A_30 = tpu.matmul %select_n3A_13, %get3A_28, %dot_general3A_29 {dimension_numbers = #tpu.dot_dimension_numbers<[1], [0], [0], [1], [0, 0, 1, 1], [], []>, transpose_lhs_hint = false} : vector<4096x128xf32>, vector<128x128xf32>, vector<4096x128xf32> -> vector<4096x128xf32>
    %add3A_31 = arith.addf %add3A, %dot_general3A_30 : vector<4096x128xf32>
    %get3A_32 = arith.constant 0 : index
    %get3A_33 = arith.constant 0 : index
    %get3A_34 = vector.load %arg7[%get3A_32, %get3A_33] : memref<1x128xf32, #tpu.memory_space<vmem>>, vector<1x128xf32>
    %add3A_35 = vector.broadcast %get3A_34 : vector<1x128xf32> to vector<4096x128xf32>
    %add3A_36 = arith.addf %add3A_31, %add3A_35 : vector<4096x128xf32>
    %max3A = arith.constant 0.000000e+00 : f32
    %max3A_37 = vector.broadcast %max3A : f32 to vector<4096x128xf32>
    %max3A_38 = arith.maximumf %add3A_36, %max3A_37 : vector<4096x128xf32>
    %get3A_39 = arith.constant 0 : index
    %get3A_40 = arith.constant 0 : index
    %get3A_41 = vector.load %arg8[%get3A_39, %get3A_40] : memref<128x64xf32, #tpu.memory_space<vmem>>, vector<128x64xf32>
    %dot_general3A_42 = arith.constant dense<0.000000e+00> : vector<4096x64xf32>
    %dot_general3A_43 = tpu.matmul %max3A_38, %get3A_41, %dot_general3A_42 {dimension_numbers = #tpu.dot_dimension_numbers<[1], [0], [0], [1], [0, 0, 1, 1], [], []>, transpose_lhs_hint = false} : vector<4096x128xf32>, vector<128x64xf32>, vector<4096x64xf32> -> vector<4096x64xf32>
    %get3A_44 = arith.constant 0 : index
    %get3A_45 = arith.constant 0 : index
    %get3A_46 = vector.load %arg9[%get3A_44, %get3A_45] : memref<1x64xf32, #tpu.memory_space<vmem>>, vector<1x64xf32>
    %add3A_47 = vector.broadcast %get3A_46 : vector<1x64xf32> to vector<4096x64xf32>
    %add3A_48 = arith.addf %dot_general3A_43, %add3A_47 : vector<4096x64xf32>
    %max3A_49 = arith.constant 0.000000e+00 : f32
    %max3A_50 = vector.broadcast %max3A_49 : f32 to vector<4096x64xf32>
    %max3A_51 = arith.maximumf %add3A_48, %max3A_50 : vector<4096x64xf32>
    %get3A_52 = arith.constant 0 : index
    %get3A_53 = arith.constant 0 : index
    %get3A_54 = vector.load %arg10[%get3A_52, %get3A_53] : memref<64x1xf32, #tpu.memory_space<vmem>>, vector<64x1xf32>
    %reshape3A = vector.shape_cast %get3A_54 : vector<64x1xf32> to vector<1x64xf32>
    %mul3A = vector.broadcast %reshape3A : vector<1x64xf32> to vector<4096x64xf32>
    %mul3A_55 = arith.mulf %max3A_51, %mul3A : vector<4096x64xf32>
    %reduce_sum3A = arith.constant dense<0.000000e+00> : vector<4096xf32>
    %reduce_sum3A_56 = vector.multi_reduction <add>, %mul3A_55, %reduce_sum3A [1] : vector<4096x64xf32> to vector<4096xf32>
    %broadcast_in_dim3A_57 = vector.shape_cast %reduce_sum3A_56 : vector<4096xf32> to vector<4096x1xf32>
    %get3A_58 = arith.constant 0 : index
    %get3A_59 = arith.constant 0 : index
    %get3A_60 = vector.load %arg11[%get3A_58, %get3A_59] : memref<1x1xf32, #tpu.memory_space<vmem>>, vector<1x1xf32>
    %add3A_61 = vector.broadcast %get3A_60 : vector<1x1xf32> to vector<4096x1xf32>
    %add3A_62 = arith.addf %broadcast_in_dim3A_57, %add3A_61 : vector<4096x1xf32>
    %swap3A = arith.constant 0 : index
    %swap3A_63 = arith.constant 0 : index
    %swap3A_64 = vector.load %arg12[%swap3A, %swap3A_63] : memref<4096x1xf32, #tpu.memory_space<vmem>>, vector<4096x1xf32>
    tpu.vector_store %arg12[%swap3A, %swap3A_63], %add3A_62 {strides = array<i32>} : memref<4096x1xf32, #tpu.memory_space<vmem>>, vector<4096x1xf32>,
    return
  }
  func.func @transform_0(%arg0: i32) -> (i32, i32) {
    %c0_i32 = arith.constant 0 : i32
    %c0_i32_0 = arith.constant 0 : i32
    return %arg0, %c0_i32 : i32, i32
  }
  func.func @transform_1(%arg0: i32) -> (i32, i32) {
    %c0_i32 = arith.constant 0 : i32
    %c0_i32_0 = arith.constant 0 : i32
    return %arg0, %c0_i32 : i32, i32
  }
  func.func @transform_2(%arg0: i32) -> (i32, i32) {
    %c0_i32 = arith.constant 0 : i32
    %c0_i32_0 = arith.constant 0 : i32
    return %arg0, %c0_i32 : i32, i32
  }
  func.func @transform_3(%arg0: i32) -> (i32, i32) {
    %c0_i32 = arith.constant 0 : i32
    %c0_i32_0 = arith.constant 0 : i32
    %c0_i32_1 = arith.constant 0 : i32
    return %c0_i32, %c0_i32_0 : i32, i32
  }
  func.func @transform_4(%arg0: i32) -> (i32, i32) {
    %c0_i32 = arith.constant 0 : i32
    %c0_i32_0 = arith.constant 0 : i32
    %c0_i32_1 = arith.constant 0 : i32
    return %c0_i32, %c0_i32_0 : i32, i32
  }
  func.func @transform_5(%arg0: i32) -> (i32, i32) {
    %c0_i32 = arith.constant 0 : i32
    %c0_i32_0 = arith.constant 0 : i32
    %c0_i32_1 = arith.constant 0 : i32
    return %c0_i32, %c0_i32_0 : i32, i32
  }
  func.func @transform_6(%arg0: i32) -> (i32, i32) {
    %c0_i32 = arith.constant 0 : i32
    %c0_i32_0 = arith.constant 0 : i32
    %c0_i32_1 = arith.constant 0 : i32
    return %c0_i32, %c0_i32_0 : i32, i32
  }
  func.func @transform_7(%arg0: i32) -> (i32, i32) {
    %c0_i32 = arith.constant 0 : i32
    %c0_i32_0 = arith.constant 0 : i32
    %c0_i32_1 = arith.constant 0 : i32
    return %c0_i32, %c0_i32_0 : i32, i32
  }
  func.func @transform_8(%arg0: i32) -> (i32, i32) {
    %c0_i32 = arith.constant 0 : i32
    %c0_i32_0 = arith.constant 0 : i32
    %c0_i32_1 = arith.constant 0 : i32
    return %c0_i32, %c0_i32_0 : i32, i32
  }
  func.func @transform_9(%arg0: i32) -> (i32, i32) {
    %c0_i32 = arith.constant 0 : i32
    %c0_i32_0 = arith.constant 0 : i32
    %c0_i32_1 = arith.constant 0 : i32
    return %c0_i32, %c0_i32_0 : i32, i32
  }
  func.func @transform_10(%arg0: i32) -> (i32, i32) {
    %c0_i32 = arith.constant 0 : i32
    %c0_i32_0 = arith.constant 0 : i32
    %c0_i32_1 = arith.constant 0 : i32
    return %c0_i32, %c0_i32_0 : i32, i32
  }
  func.func @transform_11(%arg0: i32) -> (i32, i32) {
    %c0_i32 = arith.constant 0 : i32
    %c0_i32_0 = arith.constant 0 : i32
    return %arg0, %c0_i32 : i32, i32
  }
}

</mosaic_0001>

<sc_bundles>
// kernel: kernel.4.cloned.1.call-start
scs
__scs_entry_jumppad:
0x0: {  	(pc) =	sbr.rel $0x88, $3  }
0x1: {  	(tag) =	ssettag $0x0;
	lr =	simm.s32 $0x1  }
0x2: {  	[smem:$0x3F96] =	sst lr;
	_ =	strace $0xD0000000  }
0x3: {  	_ = 	snop  }
0x4: {  	_ = 	snop  }
0x5: {  	_ = 	snop  }
0x6: {  	_ = 	snop  }
0x7: {  	_ = 	snop  }
__scs_overlays_trampoline_lowered:
0x8: {  	[smem:$0x3FA5] =	sst s0  }
0x9: {  	[smem:$0x3FA6] =	sst s1  }
0xa: {  	[smem:$0x3FA7] =	sst s2  }
0xb: {  	[smem:$0x3FA8] =	sst s3  }
0xc: {  	[smem:$0x3FA9] =	sst s4  }
0xd: {  	[smem:$0x3FAA] =	sst s5  }
0xe: {  	[smem:$0x3FAB] =	sst s6  }
0xf: {  	[smem:$0x3FAC] =	sst s7  }
0x10: {  	[smem:$0x3FAD] =	sst s8  }
0x11: {  	[smem:$0x3FAE] =	sst s9;
	s0 =	simm.s32 @!p0 $0x0  }
0x12: {  	s1 =	sld [smem:$0x3F94];
	s0 =	simm.s32 @p0 $0x1  }
0x13: {  	[smem:$0x3FAF] =	sst s0;
	s0 =	simm.s32 @!p1 $0x0  }
0x14: {  	s2 =	sld [smem:$0x3F93];
	s0 =	simm.s32 @p1 $0x1  }
0x15: {  	[smem:$0x3FB0] =	sst s0;
	s0 =	simm.s32 @!p2 $0x0  }
0x16: {  	s3 =	sld [smem:$0x3FDB];
	s0 =	simm.s32 @p2 $0x1  }
0x17: {  	s4 =	simm.s32 $0x1BF5;
	[smem:$0x3FB2] =	sst s0  }
0x18: {  	s0 =	sld [smem:$0x3F95];
	_ =	swait.ge [sflag:s4], $0x0  }
0x19: {  	s7 =	sld [smem:$0x3F96]  }
0x1a: {  	s8 =	sadd.s32 $0xFFFFE003, lr  }
0x1b: {  	s9 =	sadd.s32 $0xFFFFFEF7, lr;
	s5 =	simm.s32 $0xFFFFFFFF;
	p2 =	slt.u32 s8, $0xFFFFF086  }
0x1c: {  	p1 =	slt.u32 s9, $0xF7A;
	s5 =	simm.s32 @!p2 $0x0  }
0x1d: {  	s5 =	simm.s32 @p1 $0x1;
	p0 =	seq.s32 s7, s2  }
0x1e: {  	s7 =	smul.u32 @!p0 $0xF7A, s2;
	p2 =	seq.s32 @!p0 s5, $0x0  }
0x1f: {  	s9 =	smul.u32 $0xF7A, s1;
	s8 =	simm.s32 @!p0 $0x1BF5;
	p2 =	por !p2, p0  }
0x20: {  	[sflag:s8] =	ssyncset.s32 @!p0 $0xFFFFF086;
	s6 =	sadd.s32 @!p0 s3, s7;
	s7 =	simm.s32 @!p0 $0x108  }
0x21: {  	s3 =	sadd.s32 s3, s9;
	s6 =	sadd.s32 @!p0 $0x88, s6;
	s7 =	simm.s32 @p2 $0x1082  }
0x22: {  	[simem:s7], [sflag:s8] =	dma.local @!p0 [hbm:s6], $0xF7A  }
0x23: {  	s9 =	sor.u32 $0xD0000000, s2;
	s6 =	simm.s32 $0x108;
	_ =	swait.ge @!p0 [sflag:s8], $0x0  }
0x24: {  	s3 =	sadd.s32 $0x88, s3;
	s6 =	simm.s32 @!p1 $0x1082;
	[sflag:s4] =	ssyncset.s32 $0xFFFFF086  }
0x25: {  	[simem:s6], [sflag:s4] =	dma.local [hbm:s3], $0xF7A  }
0x26: {  	[smem:$0x3F96] =	sst s1;
	(tag) =	ssettag s2;
	_ =	strace s9  }
0x27: {  	s1 =	sld [smem:$0x3FA6]  }
0x28: {  	s2 =	sld [smem:$0x3FA7]  }
0x29: {  	s4 =	sld [smem:$0x3FA9]  }
0x2a: {  	p0 =	seq.s32 s5, $0x0;
	s5 =	sld [smem:$0x3FAA]  }
0x2b: {  	s6 =	sld [smem:$0x3FAB]  }
0x2c: {  	s7 =	sld [smem:$0x3FAC]  }
0x2d: {  	s3 =	simm.s32 $0x108;
	s8 =	sld [smem:$0x3FAD]  }
0x2e: {  	s3 =	simm.s32 @!p0 $0x1082;
	s9 =	sld [smem:$0x3FAE]  }
0x2f: {  	lr =	sadd.s32 s0, s3;
	s0 =	sld [smem:$0x3FA5]  }
0x30: {  	s3 =	sld [smem:$0x3FA8]  }
0x31: {  	[smem:$0x3FB1] =	sst s10  }
0x32: {  	s10 =	sld [smem:$0x3FAF];
	_ =	sdelay $0x3  }
0x33: {  	p0 =	seq.s32 s10, $0x1;
	s10 =	sld [smem:$0x3FB1];
	_ =	sdelay $0x3  }
0x34: {  	[smem:$0x3FB1] =	sst s10  }
0x35: {  	s10 =	sld [smem:$0x3FB0];
	_ =	sdelay $0x3  }
0x36: {  	p1 =	seq.s32 s10, $0x1;
	s10 =	sld [smem:$0x3FB1];
	_ =	sdelay $0x3  }
0x37: {  	[smem:$0x3FB1] =	sst s10  }
0x38: {  	s10 =	sld [smem:$0x3FB2]  }
0x39: {  	_ = 	snop;
	(pc) =	sbr.ind lr, $3  }
0x3a: {  	_ = 	snop  }
0x3b: {  	_ = 	snop  }
0x3c: {  	p2 =	seq.s32 s10, $0x1;
	s10 =	sld [smem:$0x3FB1]  }
0x3d: {  	_ =	shalt  }
0x3e: {  	_ =	shalt  }
0x3f: {  	_ =	shalt  }
0x40: {  	_ =	shalt  }
0x41: {  	_ =	shalt  }
0x42: {  	_ =	shalt  }
0x43: {  	_ =	shalt  }
0x44: {  	_ =	shalt  }
0x45: {  	_ =	shalt  }
0x46: {  	_ =	shalt  }
0x47: {  	_ =	shalt  }
0x48: {  	_ =	shalt  }
0x49: {  	_ =	shalt  }
0x4a: {  	_ =	shalt  }
0x4b: {  	_ =	shalt  }
0x4c: {  	_ =	shalt  }
0x4d: {  	_ =	shalt  }
0x4e: {  	_ =	shalt  }
0x4f: {  	_ =	shalt  }
0x50: {  	_ =	shalt  }
0x51: {  	_ =	shalt  }
0x52: {  	_ =	shalt  }
0x53: {  	_ =	shalt  }
0x54: {  	_ =	shalt  }
0x55: {  	_ =	shalt  }
0x56: {  	_ =	shalt  }
0x57: {  	_ =	shalt  }
0x58: {  	_ =	shalt  }
0x59: {  	_ =	shalt  }
0x5a: {  	_ =	shalt  }
0x5b: {  	_ =	shalt  }
0x5c: {  	_ =	shalt  }
0x5d: {  	_ =	shalt  }
0x5e: {  	_ =	shalt  }
0x5f: {  	_ =	shalt  }
0x60: {  	_ =	shalt  }
0x61: {  	_ =	shalt  }
0x62: {  	_ =	shalt  }
0x63: {  	_ =	shalt  }
0x64: {  	_ =	shalt  }
0x65: {  	_ =	shalt  }
0x66: {  	_ =	shalt  }
0x67: {  	_ =	shalt  }
0x68: {  	_ =	shalt  }
0x69: {  	_ =	shalt  }
0x6a: {  	_ =	shalt  }
0x6b: {  	_ =	shalt  }
0x6c: {  	_ =	shalt  }
0x6d: {  	_ =	shalt  }
0x6e: {  	_ =	shalt  }
0x6f: {  	_ =	shalt  }
0x70: {  	_ =	shalt  }
0x71: {  	_ =	shalt  }
0x72: {  	_ =	shalt  }
0x73: {  	_ =	shalt  }
0x74: {  	_ =	shalt  }
0x75: {  	_ =	shalt  }
0x76: {  	_ =	shalt  }
0x77: {  	_ =	shalt  }
0x78: {  	_ =	shalt  }
0x79: {  	_ =	shalt  }
0x7a: {  	_ =	shalt  }
0x7b: {  	_ =	shalt  }
0x7c: {  	_ =	shalt  }
0x7d: {  	_ =	shalt  }
0x7e: {  	_ =	shalt  }
0x7f: {  	_ =	shalt  }
0x80: {  	_ =	shalt  }
0x81: {  	_ =	shalt  }
0x82: {  	_ =	shalt  }
0x83: {  	_ =	shalt  }
0x84: {  	_ =	shalt  }
0x85: {  	_ =	shalt  }
0x86: {  	_ =	shalt  }
0x87: {  	_ =	shalt  }
.Lfunc_end0:
.L_simem_size_0:
called_computation_lowered:
.L_overlay_start_0:
0x88: {  	s2 =	sld [smem:$0x3FD9]  }
0x89: {  	s3 =	sld [smem:$0x3FFE];
	_ =	sdelay $0x1  }
0x8a: {  	s1 =	srdreg.scid  }
0x8b: {  	s0 =	sand.u32 $0x1, s1  }
0x8c: {  	s17 =	sshll.u32 s0, $0xA;
	s2 =	sadd.s32 s3, s2  }
0x8d: {  	s2 =	sadd.s32 s2, s17  }
0x8e: {  	[smem:$0x3FBD] =	sst s2  }
0x8f: {  	_ = 	snop  }
0x90: {  	s2 =	sld [smem:$0x3FC8]  }
0x91: {  	s18 =	sld [smem:$0x3FC7];
	(tm) =	ssettm $0x1  }
0x92: {  	s4 =	sld [smem:$0x3FFB];
	_ =	sdelay $0x3  }
0x93: {  	_ =	strace s4  }
0x94: {  	s4 =	sld [smem:$0x3FFC];
	_ =	sdelay $0x3  }
0x95: {  	_ =	strace s4  }
0x96: {  	s4 =	sld [smem:$0x3FFD];
	_ =	sdelay $0x3  }
0x97: {  	_ =	strace s4  }
0x98: {  	_ =	strace $0x8FFFFFFF  }
0x99: {  	s19 =	sld [smem:$0x3FDB];
	_ =	sdelay $0x1  }
0x9a: {  	s5 =	simm.s32 $_scs_section_size  }
0x9b: {  	s6 =	simm.s32 $_size__tile_overlayer_lowered;
	s7 =	simm.s32 $_tile_overlayer_lowered  }
0x9c: {  	s22 =	simm.s32 $0x1BFF;
	s21 =	sshll.u32 s7, $0x1;
	s4 =	sadd.s32 s5, s19  }
0x9d: {  	s8 =	simm.s32 $0x0;
	s20 =	sshll.u32 s6, $0x1;
	s6 =	sadd.s32 s21, s4  }
0x9e: {  	[timem:s8], [sflag:s22] =	dma.local [hbm:s6], s20  }
0x9f: {  	_ =	swait.ge [sflag:s22], s20  }
0xa0: {  	s5 =	ssub.s32 $0x0, s20;
	[sflag:s22] =	ssyncset.done $0x0  }
0xa1: {  	[sflag:s22] =	ssyncadd.s32 s5;
	_ =	sdelay $0x1  }
0xa2: {  	s23 =	simm.s32 $0x1B8B  }
0xa3: {  	_ =	swait.ge [sflag:s23], $0x1  }
0xa4: {  	[sflag:s23] =	ssyncset.done $0x0  }
0xa5: {  	s25 =	simm.s32 $0x1B8E;
	s24 =	sld [smem:$0x3FFE];
	[sflag:s23] =	ssyncadd.s32 $0xFFFFFFFF  }
0xa6: {  	s26 =	simm.s32 $execute0_lowered;
	[smem:$0x3FD2] =	sst s25  }
0xa7: {  	s6 =	sshll.u32 s26, $0x1;
	_ =	strace $0x80000046;
	[dreg:$0x1] =	wrdreg $0xFFFFFFFF  }
0xa8: {  	s28 =	simm.s32 $_size_execute0_lowered;
	s4 =	sadd.s32 s4, s6;
	[dreg:$0x0] =	wrdreg $0x0  }
0xa9: {  	s6 =	sshll.u32 s28, $0x1;
	[dreg:$0x2] =	wrdreg s4  }
0xaa: {  	[dreg:$0x3] =	wrdreg s6  }
0xab: {  	[dreg:$0x4] =	wrdreg $0xC0  }
0xac: {  	_ =	task [dreg:s8], $0x5FFFF  }
0xad: {  	[dreg:$0x1] =	wrdreg $0xFFFFFFFF  }
0xae: {  	[dreg:$0x0] =	wrdreg $0x60  }
0xaf: {  	[dreg:$0x2] =	wrdreg s24  }
0xb0: {  	[dreg:$0x3] =	wrdreg s2  }
0xb1: {  	[dreg:$0x4] =	wrdreg s18  }
0xb2: {  	[dreg:$0x5] =	wrdreg $0x9  }
0xb3: {  	_ =	task.clear_ibuf [dreg:s8], $0x6FFFF;
	_ =	strace $0x90000046  }
0xb4: {  	s29 =	simm.s32 $0x9;
	_ =	strace $0x80000048  }
0xb5: {  	_ =	swait.ge [sflag:s29], $0x1  }
0xb6: {  	[sflag:s29] =	ssyncadd.s32 $0xFFFFFFFF  }
0xb7: {  	_ =	strace $0x90000048  }
0xb8: {  	_ =	sfence  }
0xb9: {  	s30 =	sld [smem:$0x0];
	_ =	sdelay $0x2  }
0xba: {  	s31 =	sshll.u32 s1, $0xD;
	s1 =	sshrl.u32 s1, $0x2  }
0xbb: {  	s3 =	sand.u32 $0x4000, s31;
	s1 =	sadd.s32 s1, s30  }
0xbc: {  	s0 =	sor.u32 s3, s0;
	s1 =	sshll.u32 s1, $0x11  }
0xbd: {  	s0 =	sor.u32 s1, s0  }
0xbe: {  	s0 =	sadd.s32 $0x8F2B, s0  }
0xbf: {  	[sflag:s0] =	ssyncadd.remote.s32 $0x1  }
0xc0: {  	_ =	sfence.sel $0xFFFF  }
0xc1: {  	[dreg:$0x0] =	wrdreg $0xFFFFFFFF;
	(pc) =	sbr.abs _section_cstart, $3  }
0xc2: {  	[dreg:$0x1] =	wrdreg $0xFFFFFFFF  }
0xc3: {  	_ =	task.clear_ibuf [dreg:s8], $0x2FFFF;
	_ =	strace $0x9FFFFFFF  }
0xc4: {  	(tm) =	ssettm $0x7FFFFFFF  }
0xc5: {  	_ =	shalt  }
tec
execute0_lowered:
.L_overlay_start_1:
0x0: {  	(tag) =	ssettag $0x1  }
0x1: {  	s0 =	rddreg [dreg:$0x0]  }
0x2: {  	s2 =	rddreg [dreg:$0x1]  }
0x3: {  	s6 =	rddreg [dreg:$0x2]  }
0x4: {  	s1 =	simm.s32 $0x0;
	s5 =	srdreg.scid;
	s8 =	stileid.u32  }
0x5: {  	s11 =	simm.s32 $0x200;
	s12 =	simm.s32 $0x80;
	s15 =	simm.s32 $0x2C00  }
0x6: {  	s16 =	simm.s32 $0x100;
	s17 =	simm.s32 $0x1400;
	s18 =	simm.s32 $0x300  }
0x7: {  	s19 =	simm.s32 $0x3400;
	s20 =	simm.s32 $0x180;
	s21 =	simm.s32 $0x1C00  }
0x8: {  	s22 =	simm.s32 $0x380;
	s23 =	simm.s32 $0x3C00;
	s24 =	simm.s32 $0x1  }
0x9: {  	s25 =	simm.s32 $0x2;
	s26 =	simm.s32 $0x0;
	[smem:$0x7FF] =	sst s1  }
0xa: {  	s3 =	sadd.s32 $0xF44400, s0;
	s4 =	sadd.s32 $0x188A00, s0;
	s5 =	sand.u32 $0x1, s5  }
0xb: {  	s7 =	sshll.u32 s8, $0xE;
	s8 =	sshll.u32 s8, $0xA;
	_ =	strace $0x80000047  }
0xc: {  	s9 =	sshll.u32 s5, $0x9;
	s0 =	sadd.s32 s7, s0;
	s29 =	ssub.s32 $0x2, s5  }
0xd: {  	s10 =	sshll.u32 s5, $0xD;
	s8 =	sor.u32 s9, s8;
	s30 =	sshrl.u32 s29, $0x1  }
0xe: {  	s31 =	sadd.s32 s10, s0;
	s10 =	simm.s32 $0x3;
	s8 =	sshrl.u32 s8, $0x3  }
0xf: {  	s7 =	ssub.s32 s29, s30;
	s0 =	sadd.s32 $0x1E00, s31;
	s5 =	sadd.s32 s2, s8  }
0x10: {  	s6 =	sadd.s32 s6, s8;
	s7 =	smax.u32 s7, $0x1;
	s2 =	sadd.s32 $0x41E00, s31  }
.LBB2_1:
0x11: {  	[tilespmem:s1], [sflag:$0x3] =	stream.linear.gather [hbm4b:s5+s1], $0x200, $0x38;
	[tilespmem:$0x4400] =	vst v63  }
0x12: {  	_ =	swait.ge [sflag:s10], $0x200  }
0x13: {  	[sflag:s10] =	ssyncset.done $0x0  }
0x14: {  	[sflag:s10] =	ssyncadd.s32 $0xFFFFFE00  }
0x15: {  	[tilespmem:s11], [sflag:$0x3] =	stream.linear.gather [hbm4b:s6+s1], $0x200, $0x38;
	[tilespmem:$0x4400] =	vst v63  }
0x16: {  	_ =	swait.ge [sflag:s10], $0x200  }
0x17: {  	[sflag:s10] =	ssyncset.done $0x0  }
0x18: {  	s28 =	simm.s32 $0x400;
	[sflag:s10] =	ssyncadd.s32 $0xFFFFFE00  }
0x19: {  	[tilespmem:s28], [sflag:$0x1] =	stream.indirect.gather [hbm4b:s3+s12], $0x10, s1, s12, $0xb8;
	[tilespmem:$0x4400] =	vst v63  }
0x1a: {  	s29 =	simm.s32 $0x2400  }
0x1b: {  	[tilespmem:s29], [sflag:$0x1] =	stream.indirect.gather [hbm4b:s4+s12], $0x10, s11, s12, $0xb8;
	[tilespmem:$0x4400] =	vst v63  }
0x1c: {  	s8 =	simm.s32 $0xC00  }
0x1d: {  	[tilespmem:s8], [sflag:$0x1] =	stream.indirect.gather [hbm4b:s3+s12], $0x10, s12, s12, $0xb8;
	[tilespmem:$0x4400] =	vst v63  }
0x1e: {  	s13 =	simm.s32 $0x280  }
0x1f: {  	[tilespmem:s15], [sflag:$0x1] =	stream.indirect.gather [hbm4b:s4+s12], $0x10, s13, s12, $0xb8;
	[tilespmem:$0x4400] =	vst v63  }
0x20: {  	_ = 	snop  }
0x21: {  	[tilespmem:s17], [sflag:$0x1] =	stream.indirect.gather [hbm4b:s3+s12], $0x10, s16, s12, $0xb8;
	[tilespmem:$0x4400] =	vst v63  }
0x22: {  	_ = 	snop  }
0x23: {  	[tilespmem:s19], [sflag:$0x1] =	stream.indirect.gather [hbm4b:s4+s12], $0x10, s18, s12, $0xb8;
	[tilespmem:$0x4400] =	vst v63  }
0x24: {  	_ = 	snop  }
0x25: {  	[tilespmem:s21], [sflag:$0x1] =	stream.indirect.gather [hbm4b:s3+s12], $0x10, s20, s12, $0xb8;
	[tilespmem:$0x4400] =	vst v63  }
0x26: {  	_ = 	snop  }
0x27: {  	[tilespmem:s23], [sflag:$0x1] =	stream.indirect.gather [hbm4b:s4+s12], $0x10, s22, s12, $0xb8;
	[tilespmem:$0x4400] =	vst v63  }
0x28: {  	_ =	swait.ge [sflag:s24], $0x800  }
0x29: {  	[sflag:s24] =	ssyncset.done $0x0  }
0x2a: {  	[sflag:s24] =	ssyncadd.s32 $0xFFFFF800  }
0x2b: {  	_ =	swait.ge [sflag:s24], $0x800  }
0x2c: {  	[sflag:s24] =	ssyncset.done $0x0  }
0x2d: {  	[sflag:s24] =	ssyncadd.s32 $0xFFFFF800  }
0x2e: {  	_ =	swait.ge [sflag:s24], $0x800  }
0x2f: {  	[sflag:s24] =	ssyncset.done $0x0  }
0x30: {  	[sflag:s24] =	ssyncadd.s32 $0xFFFFF800  }
0x31: {  	_ =	swait.ge [sflag:s24], $0x800  }
0x32: {  	[sflag:s24] =	ssyncset.done $0x0  }
0x33: {  	[sflag:s24] =	ssyncadd.s32 $0xFFFFF800  }
0x34: {  	_ =	swait.ge [sflag:s24], $0x800  }
0x35: {  	[sflag:s24] =	ssyncset.done $0x0  }
0x36: {  	[sflag:s24] =	ssyncadd.s32 $0xFFFFF800  }
0x37: {  	_ =	swait.ge [sflag:s24], $0x800  }
0x38: {  	[sflag:s24] =	ssyncset.done $0x0  }
0x39: {  	[sflag:s24] =	ssyncadd.s32 $0xFFFFF800  }
0x3a: {  	_ =	swait.ge [sflag:s24], $0x800  }
0x3b: {  	[sflag:s24] =	ssyncset.done $0x0  }
0x3c: {  	[sflag:s24] =	ssyncadd.s32 $0xFFFFF800  }
0x3d: {  	s14 =	simm.s32 $0x0;
	_ =	swait.ge [sflag:s24], $0x800  }
0x3e: {  	s8 =	sand.u32 $0xE, s14;
	[sflag:s24] =	ssyncset.done $0x0  }
0x3f: {  	s9 =	sadd.s32 s8, s0;
	[sflag:s24] =	ssyncadd.s32 $0xFFFFF800  }
0x40: {  	[hbm4b:s9+s1] =	stream.linear.scatter [tilespmem:s28], [sflag:$0x2], $0x10, $0x38;
	[tilespmem:$0x4400] =	vst v63  }
0x41: {  	s30 =	simm.s32 $0x2;
	s8 =	sadd.s32 s8, s2  }
0x42: {  	[hbm4b:s8+s1] =	stream.linear.scatter [tilespmem:s29], [sflag:$0x2], $0x10, $0x38;
	[tilespmem:$0x4400] =	vst v63  }
0x43: {  	s31 =	simm.s32 $0x1;
	s9 =	smov.u32 s2;
	s8 =	smov.u32 s0  }
.LBB2_2:
0x44: {  	s13 =	sshll.u32 s31, $0x1;
	p0 =	sne.s32 s30, $0x3FE;
	s30 =	sadd.s32 $0x2, s30  }
.Ltmp0:
0x45: {  	s8 =	sadd.s32 $0x10, s8;
	s13 =	sand.u32 $0xE, s13;
	(pc) =	sbr.rel @p0 .LBB2_2-.Ltmp0, $4  }
0x46: {  	s28 =	sadd.s32 $0x10, s28;
	s9 =	sadd.s32 $0x10, s9;
	s14 =	sadd.s32 s13, s8  }
0x47: {  	[hbm4b:s14+s1] =	stream.linear.scatter [tilespmem:s28], [sflag:$0x2], $0x10, $0x38;
	[tilespmem:$0x4400] =	vst v63  }
0x48: {  	s31 =	sadd.s32 $0x1, s31;
	s29 =	sadd.s32 $0x10, s29;
	s13 =	sadd.s32 s13, s9  }
0x49: {  	[hbm4b:s13+s1] =	stream.linear.scatter [tilespmem:s29], [sflag:$0x2], $0x10, $0x38;
	[tilespmem:$0x4400] =	vst v63  }
0x4a: {  	s26 =	sadd.s32 $0x1, s26  }
0x4b: {  	_ =	swait.ge [sflag:s25], $0x2000;
	p0 =	sne.s32 s26, s7  }
.Ltmp1:
0x4c: {  	[sflag:s25] =	ssyncset.done $0x0;
	(pc) =	sbr.rel @p0 .LBB2_1-.Ltmp1, $4  }
0x4d: {  	[sflag:s25] =	ssyncadd.s32 $0xFFFFE000  }
0x4e: {  	_ =	swait.ge [sflag:s25], $0x2000  }
0x4f: {  	[sflag:s25] =	ssyncset.done $0x0  }
0x50: {  	[sflag:s25] =	ssyncadd.s32 $0xFFFFE000  }
0x51: {  	_ =	sfence.sel $0x180000  }
0x52: {  	[bflag:$0x0] =	sbarrier.arrive $0xFFFF  }
0x53: {  	_ =	strace $0x90000047  }
0x54: {  	s0 =	stileid.u32;
	[bflag:$0x2] =	sbarrier.arrive $0xFFFF  }
0x55: {  	p0 =	sne.s32 s0, $0x0;
	s0 =	rddreg [dreg:$0x3]  }
0x56: {  	s0 =	sadd.s32 @!p0 $0x100000, s0  }
0x57: {  	[sflag:s0] =	ssyncadd.tile.s32 @!p0 $0x1;
	_ =	shalt  }
.Lfunc_end2:
_tile_overlayer_lowered:
.L_overlay_start_2:
0x58: {  	(tag) =	ssettag $0x2  }
0x59: {  	s0 =	rddreg [dreg:$0x0];
	s2 =	stileid.u32  }
0x5a: {  	s1 =	rddreg [dreg:$0x1];
	p0 =	sne.s32 s2, $0x0  }
0x5b: {  	s3 =	rddreg [dreg:$0x2];
	[bflag:$0x3] =	sbarrier.arrive $0xFFFF;
	s2 =	simm.s32 @!p0 $0x1C03  }
0x5c: {  	[timem:s3], [sflag:s2] =	dma.local @!p0 [hbm:s0], s1  }
0x5d: {  	s0 =	simm.s32 @!p0 $0x3  }
0x5e: {  	_ =	swait.ge @!p0 [sflag:s0], s1  }
0x5f: {  	s1 =	ssub.s32 @!p0 $0x0, s1;
	[sflag:s0] =	ssyncset.done @!p0 $0x0  }
0x60: {  	[sflag:s0] =	ssyncadd.s32 @!p0 s1  }
0x61: {  	[bflag:$0x3] =	sbarrier.arrive $0xFFFF  }
0x62: {  	_ =	shalt  }

</sc_bundles>
